<compile_context>
chip_gen: v7x
topology: tpu7x:2x2x1
jax: 0.10.2.dev20260603
libtpu: 0.0.44.dev20260713+nightly
codegen_flags: <defaults>
</compile_context>

<pallas_src>
import functools
import jax
import jax.numpy as jnp
from jax import lax
from jax.experimental import pallas as pl
from jax.experimental.pallas import tpu as pltpu
from jax.experimental.pallas import tpu_sc as plsc

D_MODEL = 2048
SEQ_LEN = 8192
NC, NS = 2, 16
NW = NC * NS
B_PER_W = SEQ_LEN // NW
R = 32
N_CHUNKS = B_PER_W // R

_mesh = plsc.VectorSubcoreMesh(core_axis_name="c", subcore_axis_name="s")


@functools.partial(
    pl.kernel,
    out_type=jax.ShapeDtypeStruct((SEQ_LEN, D_MODEL), jnp.float32),
    mesh=_mesh,
    scratch_types=[
        pltpu.VMEM((B_PER_W,), jnp.int32),
        pltpu.VMEM((R, D_MODEL), jnp.float32),
    ],
)
def _gather_kernel(x_hbm, pe_hbm, out_hbm, idx_v, rows):
    wid = lax.axis_index("s") * NC + lax.axis_index("c")
    base = pl.multiple_of(wid * B_PER_W, B_PER_W)
    pltpu.sync_copy(x_hbm.at[pl.ds(base, B_PER_W)], idx_v)

    def body(i, carry):
        off = pl.multiple_of(i * R, R)
        pltpu.sync_copy(pe_hbm.at[idx_v.at[pl.ds(off, R)]], rows)
        pltpu.sync_copy(rows, out_hbm.at[pl.ds(base + off, R)])
        return carry

    lax.fori_loop(0, N_CHUNKS, body, 0)


def kernel(x, pe):
    return _gather_kernel(x, pe)

# --- scband reference (transcript-rebuilt; emitter-appended) ---
"""Pipeline reference for scband-positional-embedding-5394478924218 (READ-ONLY COPY).

The authoritative reference and input builder live on the scoring server;
editing this copy changes nothing except your own understanding.
"""

import math
import jax, jax.numpy as jnp
import numpy as np

D_MODEL = 2048
MAX_LEN = 8192
SEQ_LEN = 8192

def _build_pe():
    position = jnp.arange(MAX_LEN, dtype=jnp.float32)[:, None]
    div_term = jnp.exp(jnp.arange(0, D_MODEL, 2, dtype=jnp.float32) * (-math.log(10000.0) / D_MODEL))
    pe = jnp.zeros((MAX_LEN, D_MODEL), dtype=jnp.float32)
    pe = pe.at[:, 0::2].set(jnp.sin(position * div_term))
    pe = pe.at[:, 1::2].set(jnp.cos(position * div_term))
    return pe

def setup_inputs(seed: int = 0) -> dict:
    key = jax.random.key(seed)
    x = jax.random.randint(key, (SEQ_LEN,), 0, MAX_LEN, dtype=jnp.int32)
    pe = _build_pe()
    return {"x": x, "pe": pe}

def reference(x, pe):
    # embedding = self.pe[x.view(-1)] ; num_nodes is None -> return embedding
    embedding = jnp.take(pe, x.reshape(-1), axis=0)
    return embedding

if __name__ == "__main__":
    import jax
    _d = setup_inputs()
    print(jax.jit(kernel)(*tuple(_d.values())))

</pallas_src>

<mosaic_0001>
#map = affine_map<(d0, d1) -> (0)>
#map1 = affine_map<(d0, d1) -> (0, 0)>
module attributes {stable_mosaic.version = 14 : i64} {
  func.func @_gather_kernel(%arg0: i32, %arg1: i32, %arg2: memref<8192xi32, #tpu.memory_space<hbm>>, %arg3: memref<8192x2048xf32, #tpu.memory_space<hbm>>, %arg4: memref<8192x2048xf32, #tpu.memory_space<hbm>>, %arg5: memref<256xi32, #tpu.memory_space<vmem>>, %arg6: memref<32x2048xf32, #tpu.memory_space<vmem>>) attributes {dimension_semantics = [#tpu.dimension_semantics<core_parallel>, #tpu.dimension_semantics<subcore_parallel>], iteration_bounds = array<i64: 2, 16>, scalar_prefetch = 0 : i64, scratch_operands = 2 : i64, tpu.core_type = #tpu.core_type<sc_vector_subcore>, window_params = [{transform_indices = #map}, {transform_indices = #map1}, {transform_indices = #map1}]} {
    %mul3A = arith.constant 2 : i32
    %mul3A_0 = arith.muli %arg1, %mul3A : i32
    %add3A = arith.addi %mul3A_0, %arg0 : i32
    %mul3A_1 = arith.constant 256 : i32
    %mul3A_2 = arith.muli %add3A, %mul3A_1 : i32
    %multiple_of3A = tpu.assume_multiple %mul3A_2, 256 : i32
    "tpu.region"() ({
      %run_scoped3A = tpu.sem_alloc : memref<!tpu.dma_semaphore, #tpu.memory_space<semaphore_mem>>
      %dma_start3A = tpu.memref_slice %arg2[%multiple_of3A] : memref<8192xi32, #tpu.memory_space<hbm>> -> memref<256xi32, #tpu.memory_space<hbm>>
      %dma_start3A_8 = tpu.memref_slice %arg2[%multiple_of3A] : memref<8192xi32, #tpu.memory_space<hbm>> -> memref<256xi32, #tpu.memory_space<hbm>>
      tpu.enqueue_dma source(%dma_start3A_8 : memref<256xi32, #tpu.memory_space<hbm>>) target(%arg5 : memref<256xi32, #tpu.memory_space<vmem>>) target_semaphore(%run_scoped3A : memref<!tpu.dma_semaphore, #tpu.memory_space<semaphore_mem>>)
      %dma_wait3A = tpu.memref_slice %arg2[%multiple_of3A] : memref<8192xi32, #tpu.memory_space<hbm>> -> memref<256xi32, #tpu.memory_space<hbm>>
      %dma_wait3A_9 = tpu.memref_slice %arg2[%multiple_of3A] : memref<8192xi32, #tpu.memory_space<hbm>> -> memref<256xi32, #tpu.memory_space<hbm>>
      tpu.wait_dma2 semaphore(%run_scoped3A : memref<!tpu.dma_semaphore, #tpu.memory_space<semaphore_mem>>) src(%dma_wait3A_9 : memref<256xi32, #tpu.memory_space<hbm>>) dst(%arg5 : memref<256xi32, #tpu.memory_space<vmem>>)
      tpu.yield
    }) : () -> ()
    %scan3A = arith.constant 0 : i32
    %scan3A_3 = arith.constant 0 : i32
    %scan3A_4 = arith.constant 8 : i32
    %scan3A_5 = arith.addi %scan3A_3, %scan3A_4 : i32
    %scan3A_6 = arith.constant 1 : i32
    scf.for %scan3A_8 = %scan3A_3 to %scan3A_5 step %scan3A_6  : i32 {
      %mul3A_9 = arith.constant 32 : i32
      %mul3A_10 = arith.muli %scan3A_8, %mul3A_9 : i32
      %multiple_of3A_11 = tpu.assume_multiple %mul3A_10, 32 : i32
      "tpu.region"() ({
        %run_scoped3A = tpu.sem_alloc : memref<!tpu.dma_semaphore, #tpu.memory_space<semaphore_mem>>
        %dma_start3A = tpu.memref_slice %arg5[%multiple_of3A_11] : memref<256xi32, #tpu.memory_space<vmem>> -> memref<32xi32, #tpu.memory_space<vmem>>
        %dma_start3A_13 = arith.constant 0 : i32
        %dma_start3A_14 = arith.constant 0 : i32
        %dma_start3A_15 = tpu.memref_slice %arg3[%dma_start3A_13, %dma_start3A_14] : memref<8192x2048xf32, #tpu.memory_space<hbm>> -> memref<8192x2048xf32, #tpu.memory_space<hbm>>
        tpu.enqueue_indirect_dma source(%dma_start3A_15 : memref<8192x2048xf32, #tpu.memory_space<hbm>>) target(%arg6 : memref<32x2048xf32, #tpu.memory_space<vmem>>) offsets(%dma_start3A : memref<32xi32, #tpu.memory_space<vmem>>) semaphore(%run_scoped3A : memref<!tpu.dma_semaphore, #tpu.memory_space<semaphore_mem>>)
        %dma_wait3A = tpu.memref_slice %arg5[%multiple_of3A_11] : memref<256xi32, #tpu.memory_space<vmem>> -> memref<32xi32, #tpu.memory_space<vmem>>
        %dma_wait3A_16 = arith.constant 0 : i32
        %dma_wait3A_17 = arith.constant 0 : i32
        %dma_wait3A_18 = tpu.memref_slice %arg3[%dma_wait3A_16, %dma_wait3A_17] : memref<8192x2048xf32, #tpu.memory_space<hbm>> -> memref<8192x2048xf32, #tpu.memory_space<hbm>>
        tpu.wait_indirect_dma semaphore(%run_scoped3A : memref<!tpu.dma_semaphore, #tpu.memory_space<semaphore_mem>>) src(%dma_wait3A_18 : memref<8192x2048xf32, #tpu.memory_space<hbm>>) dst(%arg6 : memref<32x2048xf32, #tpu.memory_space<vmem>>)
        tpu.yield
      }) : () -> ()
      %add3A_12 = arith.addi %multiple_of3A, %multiple_of3A_11 : i32
      "tpu.region"() ({
        %run_scoped3A = tpu.sem_alloc : memref<!tpu.dma_semaphore, #tpu.memory_space<semaphore_mem>>
        %dma_start3A = arith.constant 0 : i32
        %dma_start3A_13 = tpu.memref_slice %arg4[%add3A_12, %dma_start3A] : memref<8192x2048xf32, #tpu.memory_space<hbm>> -> memref<32x2048xf32, #tpu.memory_space<hbm>>
        %dma_start3A_14 = arith.constant 0 : i32
        %dma_start3A_15 = tpu.memref_slice %arg4[%add3A_12, %dma_start3A_14] : memref<8192x2048xf32, #tpu.memory_space<hbm>> -> memref<32x2048xf32, #tpu.memory_space<hbm>>
        tpu.enqueue_dma source(%arg6 : memref<32x2048xf32, #tpu.memory_space<vmem>>) target(%dma_start3A_15 : memref<32x2048xf32, #tpu.memory_space<hbm>>) target_semaphore(%run_scoped3A : memref<!tpu.dma_semaphore, #tpu.memory_space<semaphore_mem>>)
        %dma_wait3A = arith.constant 0 : i32
        %dma_wait3A_16 = tpu.memref_slice %arg4[%add3A_12, %dma_wait3A] : memref<8192x2048xf32, #tpu.memory_space<hbm>> -> memref<32x2048xf32, #tpu.memory_space<hbm>>
        %dma_wait3A_17 = arith.constant 0 : i32
        %dma_wait3A_18 = tpu.memref_slice %arg4[%add3A_12, %dma_wait3A_17] : memref<8192x2048xf32, #tpu.memory_space<hbm>> -> memref<32x2048xf32, #tpu.memory_space<hbm>>
        tpu.wait_dma2 semaphore(%run_scoped3A : memref<!tpu.dma_semaphore, #tpu.memory_space<semaphore_mem>>) src(%arg6 : memref<32x2048xf32, #tpu.memory_space<vmem>>) dst(%dma_wait3A_18 : memref<32x2048xf32, #tpu.memory_space<hbm>>)
        tpu.yield
      }) : () -> ()
    }
    %scan3A_7 = arith.constant 8 : i32
    return
  }
}

</mosaic_0001>

<sc_bundles>
// kernel: kernel.3.cloned.1.call-start
scs
__scs_entry_jumppad:
0x0: {  	(pc) =	sbr.rel $0x88, $3  }
0x1: {  	(tag) =	ssettag $0x0;
	lr =	simm.s32 $0x1  }
0x2: {  	[smem:$0x3F9F] =	sst lr;
	_ =	strace $0xD0000000  }
0x3: {  	_ = 	snop  }
0x4: {  	_ = 	snop  }
0x5: {  	_ = 	snop  }
0x6: {  	_ = 	snop  }
0x7: {  	_ = 	snop  }
__scs_overlays_trampoline_lowered:
0x8: {  	[smem:$0x3FAE] =	sst s0  }
0x9: {  	[smem:$0x3FAF] =	sst s1  }
0xa: {  	[smem:$0x3FB0] =	sst s2  }
0xb: {  	[smem:$0x3FB1] =	sst s3  }
0xc: {  	[smem:$0x3FB2] =	sst s4  }
0xd: {  	[smem:$0x3FB3] =	sst s5  }
0xe: {  	[smem:$0x3FB4] =	sst s6  }
0xf: {  	[smem:$0x3FB5] =	sst s7  }
0x10: {  	[smem:$0x3FB6] =	sst s8  }
0x11: {  	[smem:$0x3FB7] =	sst s9;
	s0 =	simm.s32 @!p0 $0x0  }
0x12: {  	s1 =	sld [smem:$0x3F9D];
	s0 =	simm.s32 @p0 $0x1  }
0x13: {  	[smem:$0x3FB8] =	sst s0;
	s0 =	simm.s32 @!p1 $0x0  }
0x14: {  	s2 =	sld [smem:$0x3F9C];
	s0 =	simm.s32 @p1 $0x1  }
0x15: {  	[smem:$0x3FB9] =	sst s0;
	s0 =	simm.s32 @!p2 $0x0  }
0x16: {  	s3 =	sld [smem:$0x3FDB];
	s0 =	simm.s32 @p2 $0x1  }
0x17: {  	s4 =	simm.s32 $0x1BF5;
	[smem:$0x3FBB] =	sst s0  }
0x18: {  	s0 =	sld [smem:$0x3F9E];
	_ =	swait.ge [sflag:s4], $0x0  }
0x19: {  	s7 =	sld [smem:$0x3F9F]  }
0x1a: {  	s8 =	sadd.s32 $0xFFFFE003, lr  }
0x1b: {  	s9 =	sadd.s32 $0xFFFFFEF7, lr;
	s5 =	simm.s32 $0xFFFFFFFF;
	p2 =	slt.u32 s8, $0xFFFFF086  }
0x1c: {  	p1 =	slt.u32 s9, $0xF7A;
	s5 =	simm.s32 @!p2 $0x0  }
0x1d: {  	s5 =	simm.s32 @p1 $0x1;
	p0 =	seq.s32 s7, s2  }
0x1e: {  	s7 =	smul.u32 @!p0 $0xF7A, s2;
	p2 =	seq.s32 @!p0 s5, $0x0  }
0x1f: {  	s9 =	smul.u32 $0xF7A, s1;
	s8 =	simm.s32 @!p0 $0x1BF5;
	p2 =	por !p2, p0  }
0x20: {  	[sflag:s8] =	ssyncset.s32 @!p0 $0xFFFFF086;
	s6 =	sadd.s32 @!p0 s3, s7;
	s7 =	simm.s32 @!p0 $0x108  }
0x21: {  	s3 =	sadd.s32 s3, s9;
	s6 =	sadd.s32 @!p0 $0x88, s6;
	s7 =	simm.s32 @p2 $0x1082  }
0x22: {  	[simem:s7], [sflag:s8] =	dma.local @!p0 [hbm:s6], $0xF7A  }
0x23: {  	s9 =	sor.u32 $0xD0000000, s2;
	s6 =	simm.s32 $0x108;
	_ =	swait.ge @!p0 [sflag:s8], $0x0  }
0x24: {  	s3 =	sadd.s32 $0x88, s3;
	s6 =	simm.s32 @!p1 $0x1082;
	[sflag:s4] =	ssyncset.s32 $0xFFFFF086  }
0x25: {  	[simem:s6], [sflag:s4] =	dma.local [hbm:s3], $0xF7A  }
0x26: {  	[smem:$0x3F9F] =	sst s1;
	(tag) =	ssettag s2;
	_ =	strace s9  }
0x27: {  	s1 =	sld [smem:$0x3FAF]  }
0x28: {  	s2 =	sld [smem:$0x3FB0]  }
0x29: {  	s4 =	sld [smem:$0x3FB2]  }
0x2a: {  	p0 =	seq.s32 s5, $0x0;
	s5 =	sld [smem:$0x3FB3]  }
0x2b: {  	s6 =	sld [smem:$0x3FB4]  }
0x2c: {  	s7 =	sld [smem:$0x3FB5]  }
0x2d: {  	s3 =	simm.s32 $0x108;
	s8 =	sld [smem:$0x3FB6]  }
0x2e: {  	s3 =	simm.s32 @!p0 $0x1082;
	s9 =	sld [smem:$0x3FB7]  }
0x2f: {  	lr =	sadd.s32 s0, s3;
	s0 =	sld [smem:$0x3FAE]  }
0x30: {  	s3 =	sld [smem:$0x3FB1]  }
0x31: {  	[smem:$0x3FBA] =	sst s10  }
0x32: {  	s10 =	sld [smem:$0x3FB8];
	_ =	sdelay $0x3  }
0x33: {  	p0 =	seq.s32 s10, $0x1;
	s10 =	sld [smem:$0x3FBA];
	_ =	sdelay $0x3  }
0x34: {  	[smem:$0x3FBA] =	sst s10  }
0x35: {  	s10 =	sld [smem:$0x3FB9];
	_ =	sdelay $0x3  }
0x36: {  	p1 =	seq.s32 s10, $0x1;
	s10 =	sld [smem:$0x3FBA];
	_ =	sdelay $0x3  }
0x37: {  	[smem:$0x3FBA] =	sst s10  }
0x38: {  	s10 =	sld [smem:$0x3FBB]  }
0x39: {  	_ = 	snop;
	(pc) =	sbr.ind lr, $3  }
0x3a: {  	_ = 	snop  }
0x3b: {  	_ = 	snop  }
0x3c: {  	p2 =	seq.s32 s10, $0x1;
	s10 =	sld [smem:$0x3FBA]  }
0x3d: {  	_ =	shalt  }
0x3e: {  	_ =	shalt  }
0x3f: {  	_ =	shalt  }
0x40: {  	_ =	shalt  }
0x41: {  	_ =	shalt  }
0x42: {  	_ =	shalt  }
0x43: {  	_ =	shalt  }
0x44: {  	_ =	shalt  }
0x45: {  	_ =	shalt  }
0x46: {  	_ =	shalt  }
0x47: {  	_ =	shalt  }
0x48: {  	_ =	shalt  }
0x49: {  	_ =	shalt  }
0x4a: {  	_ =	shalt  }
0x4b: {  	_ =	shalt  }
0x4c: {  	_ =	shalt  }
0x4d: {  	_ =	shalt  }
0x4e: {  	_ =	shalt  }
0x4f: {  	_ =	shalt  }
0x50: {  	_ =	shalt  }
0x51: {  	_ =	shalt  }
0x52: {  	_ =	shalt  }
0x53: {  	_ =	shalt  }
0x54: {  	_ =	shalt  }
0x55: {  	_ =	shalt  }
0x56: {  	_ =	shalt  }
0x57: {  	_ =	shalt  }
0x58: {  	_ =	shalt  }
0x59: {  	_ =	shalt  }
0x5a: {  	_ =	shalt  }
0x5b: {  	_ =	shalt  }
0x5c: {  	_ =	shalt  }
0x5d: {  	_ =	shalt  }
0x5e: {  	_ =	shalt  }
0x5f: {  	_ =	shalt  }
0x60: {  	_ =	shalt  }
0x61: {  	_ =	shalt  }
0x62: {  	_ =	shalt  }
0x63: {  	_ =	shalt  }
0x64: {  	_ =	shalt  }
0x65: {  	_ =	shalt  }
0x66: {  	_ =	shalt  }
0x67: {  	_ =	shalt  }
0x68: {  	_ =	shalt  }
0x69: {  	_ =	shalt  }
0x6a: {  	_ =	shalt  }
0x6b: {  	_ =	shalt  }
0x6c: {  	_ =	shalt  }
0x6d: {  	_ =	shalt  }
0x6e: {  	_ =	shalt  }
0x6f: {  	_ =	shalt  }
0x70: {  	_ =	shalt  }
0x71: {  	_ =	shalt  }
0x72: {  	_ =	shalt  }
0x73: {  	_ =	shalt  }
0x74: {  	_ =	shalt  }
0x75: {  	_ =	shalt  }
0x76: {  	_ =	shalt  }
0x77: {  	_ =	shalt  }
0x78: {  	_ =	shalt  }
0x79: {  	_ =	shalt  }
0x7a: {  	_ =	shalt  }
0x7b: {  	_ =	shalt  }
0x7c: {  	_ =	shalt  }
0x7d: {  	_ =	shalt  }
0x7e: {  	_ =	shalt  }
0x7f: {  	_ =	shalt  }
0x80: {  	_ =	shalt  }
0x81: {  	_ =	shalt  }
0x82: {  	_ =	shalt  }
0x83: {  	_ =	shalt  }
0x84: {  	_ =	shalt  }
0x85: {  	_ =	shalt  }
0x86: {  	_ =	shalt  }
0x87: {  	_ =	shalt  }
.Lfunc_end0:
.L_simem_size_0:
called_computation_lowered:
.L_overlay_start_0:
0x88: {  	s2 =	sld [smem:$0x3FD9]  }
0x89: {  	s3 =	sld [smem:$0x3FFE];
	_ =	sdelay $0x1  }
0x8a: {  	s1 =	srdreg.scid  }
0x8b: {  	s0 =	sand.u32 $0x1, s1  }
0x8c: {  	s18 =	sshll.u32 s0, $0xA;
	s2 =	sadd.s32 s3, s2  }
0x8d: {  	s2 =	sadd.s32 s2, s18  }
0x8e: {  	[smem:$0x3FC6] =	sst s2  }
0x8f: {  	_ = 	snop  }
0x90: {  	s2 =	sld [smem:$0x3FC9]  }
0x91: {  	s19 =	sld [smem:$0x3FC8]  }
0x92: {  	s4 =	sld [smem:$0x3FD0];
	(tm) =	ssettm $0x1  }
0x93: {  	s5 =	sld [smem:$0x3FFB];
	_ =	sdelay $0x3  }
0x94: {  	_ =	strace s5  }
0x95: {  	s5 =	sld [smem:$0x3FFC];
	_ =	sdelay $0x3  }
0x96: {  	_ =	strace s5  }
0x97: {  	s5 =	sld [smem:$0x3FFD];
	_ =	sdelay $0x3  }
0x98: {  	_ =	strace s5  }
0x99: {  	_ =	strace $0x8FFFFFFF  }
0x9a: {  	s20 =	sld [smem:$0x3FDB];
	_ =	sdelay $0x1  }
0x9b: {  	s6 =	simm.s32 $_scs_section_size  }
0x9c: {  	s7 =	simm.s32 $_size__tile_overlayer_lowered;
	s8 =	simm.s32 $_tile_overlayer_lowered  }
0x9d: {  	s23 =	simm.s32 $0x1BFF;
	s22 =	sshll.u32 s8, $0x1;
	s5 =	sadd.s32 s6, s20  }
0x9e: {  	s9 =	simm.s32 $0x0;
	s21 =	sshll.u32 s7, $0x1;
	s7 =	sadd.s32 s22, s5  }
0x9f: {  	[timem:s9], [sflag:s23] =	dma.local [hbm:s7], s21  }
0xa0: {  	_ =	swait.ge [sflag:s23], s21  }
0xa1: {  	s6 =	ssub.s32 $0x0, s21;
	[sflag:s23] =	ssyncset.done $0x0  }
0xa2: {  	[sflag:s23] =	ssyncadd.s32 s6;
	_ =	sdelay $0x1  }
0xa3: {  	s24 =	simm.s32 $0x1B8B  }
0xa4: {  	_ =	swait.ge [sflag:s24], $0x1  }
0xa5: {  	[sflag:s24] =	ssyncset.done $0x0  }
0xa6: {  	s25 =	simm.s32 $0x1B8E;
	[sflag:s24] =	ssyncadd.s32 $0xFFFFFFFF  }
0xa7: {  	s26 =	simm.s32 $execute0_lowered;
	[smem:$0x3FD2] =	sst s25  }
0xa8: {  	s6 =	sshll.u32 s26, $0x1;
	_ =	strace $0x80000046;
	[dreg:$0x1] =	wrdreg $0xFFFFFFFF  }
0xa9: {  	s28 =	simm.s32 $_size_execute0_lowered;
	s5 =	sadd.s32 s5, s6;
	[dreg:$0x0] =	wrdreg $0x0  }
0xaa: {  	s6 =	sshll.u32 s28, $0x1;
	[dreg:$0x2] =	wrdreg s5  }
0xab: {  	[dreg:$0x3] =	wrdreg s6  }
0xac: {  	[dreg:$0x4] =	wrdreg $0xC0  }
0xad: {  	_ =	task [dreg:s9], $0x5FFFF  }
0xae: {  	[dreg:$0x1] =	wrdreg $0xFFFFFFFF  }
0xaf: {  	[dreg:$0x0] =	wrdreg $0x60  }
0xb0: {  	[dreg:$0x2] =	wrdreg s2  }
0xb1: {  	[dreg:$0x3] =	wrdreg s19  }
0xb2: {  	[dreg:$0x4] =	wrdreg s4  }
0xb3: {  	[dreg:$0x5] =	wrdreg $0x9  }
0xb4: {  	_ =	task.clear_ibuf [dreg:s9], $0x6FFFF;
	_ =	strace $0x90000046  }
0xb5: {  	s29 =	simm.s32 $0x9;
	_ =	strace $0x80000048  }
0xb6: {  	_ =	swait.ge [sflag:s29], $0x1  }
0xb7: {  	[sflag:s29] =	ssyncadd.s32 $0xFFFFFFFF  }
0xb8: {  	_ =	strace $0x90000048  }
0xb9: {  	_ =	sfence  }
0xba: {  	s30 =	sld [smem:$0x0];
	_ =	sdelay $0x2  }
0xbb: {  	s31 =	sshll.u32 s1, $0xD;
	s1 =	sshrl.u32 s1, $0x2  }
0xbc: {  	s3 =	sand.u32 $0x4000, s31;
	s1 =	sadd.s32 s1, s30  }
0xbd: {  	s0 =	sor.u32 s3, s0;
	s1 =	sshll.u32 s1, $0x11  }
0xbe: {  	s0 =	sor.u32 s1, s0  }
0xbf: {  	s0 =	sadd.s32 $0x8F2B, s0  }
0xc0: {  	[sflag:s0] =	ssyncadd.remote.s32 $0x1  }
0xc1: {  	_ =	sfence.sel $0xFFFF  }
0xc2: {  	[dreg:$0x0] =	wrdreg $0xFFFFFFFF;
	(pc) =	sbr.abs _section_cstart, $3  }
0xc3: {  	[dreg:$0x1] =	wrdreg $0xFFFFFFFF  }
0xc4: {  	_ =	task.clear_ibuf [dreg:s9], $0x2FFFF;
	_ =	strace $0x9FFFFFFF  }
0xc5: {  	(tm) =	ssettm $0x7FFFFFFF  }
tec
execute0_lowered:
.L_overlay_start_1:
0x0: {  	(tag) =	ssettag $0x1  }
0x1: {  	s0 =	rddreg [dreg:$0x0]  }
0x2: {  	s1 =	rddreg [dreg:$0x1]  }
0x3: {  	s3 =	rddreg [dreg:$0x2];
	s2 =	simm.s32 $0x0  }
0x4: {  	s4 =	srdreg.scid;
	s13 =	stileid.u32;
	s9 =	simm.s32 $0x900  }
0x5: {  	s10 =	simm.s32 $0x1100;
	s11 =	simm.s32 $0x1900;
	[smem:$0x7FF] =	sst s2  }
0x6: {  	s14 =	simm.s32 $0x2100;
	_ =	strace $0x80000047;
	[dreg:$0x4] =	wrdreg s9  }
0x7: {  	s15 =	simm.s32 $0x2900;
	s16 =	simm.s32 $0x3100;
	[dreg:$0x5] =	wrdreg s10  }
0x8: {  	s17 =	simm.s32 $0x3900;
	s18 =	simm.s32 $0x4100;
	[dreg:$0x6] =	wrdreg s11  }
0x9: {  	s19 =	simm.s32 $0x4900;
	s20 =	simm.s32 $0x5100;
	[dreg:$0x7] =	wrdreg s14  }
0xa: {  	s21 =	simm.s32 $0x5900;
	s22 =	simm.s32 $0x6100;
	[dreg:$0x8] =	wrdreg s15  }
0xb: {  	s23 =	simm.s32 $0x6900;
	s24 =	simm.s32 $0x7100;
	[dreg:$0x9] =	wrdreg s16  }
0xc: {  	s25 =	simm.s32 $0x7900;
	s26 =	simm.s32 $0x8100;
	[dreg:$0xa] =	wrdreg s17  }
0xd: {  	s28 =	simm.s32 $0xE100;
	s29 =	simm.s32 $0xE900;
	[dreg:$0xb] =	wrdreg s18  }
0xe: {  	s30 =	simm.s32 $0xF100;
	s31 =	simm.s32 $0xF900;
	[dreg:$0xc] =	wrdreg s19  }
0xf: {  	s4 =	sand.u32 $0x1, s4;
	s7 =	sshll.u32 s13, $0x9;
	[dreg:$0xd] =	wrdreg s20  }
0x10: {  	s13 =	sshll.u32 s13, $0x11;
	s5 =	ssub.s32 $0x2, s4;
	[dreg:$0xe] =	wrdreg s21  }
0x11: {  	s8 =	sshll.u32 s4, $0x8;
	s9 =	sadd.s32 $0x500, s1;
	[dreg:$0xf] =	wrdreg s22  }
0x12: {  	s10 =	sadd.s32 $0x600, s1;
	s11 =	sadd.s32 $0x700, s1;
	[dreg:$0x10] =	wrdreg s23  }
0x13: {  	s3 =	sadd.s32 s13, s3;
	s4 =	sshll.u32 s4, $0x10;
	[dreg:$0x11] =	wrdreg s24  }
0x14: {  	s14 =	simm.s32 $0x1;
	[dreg:$0x12] =	wrdreg s25;
	s15 =	simm.s32 $0x100  }
0x15: {  	[dreg:$0x13] =	wrdreg s26;
	s16 =	simm.s32 $0x8900;
	s17 =	simm.s32 $0x9100  }
0x16: {  	s18 =	simm.s32 $0x9900;
	s19 =	simm.s32 $0xA100;
	s20 =	simm.s32 $0xA900  }
0x17: {  	s21 =	simm.s32 $0xB100;
	s22 =	simm.s32 $0xB900;
	s23 =	simm.s32 $0xC100  }
0x18: {  	s24 =	simm.s32 $0xC900;
	s25 =	simm.s32 $0xD100;
	s26 =	simm.s32 $0xD900  }
0x19: {  	s6 =	sshrl.u32 s5, $0x1;
	s8 =	sor.u32 s8, s7;
	s7 =	sadd.s32 $0x300, s1  }
0x1a: {  	s3 =	sadd.s32 s4, s3;
	s12 =	ssub.s32 s5, s6;
	s5 =	sshrl.u32 s8, $0x3  }
0x1b: {  	v2 =	vlaneseq.u32;
	s6 =	sadd.s32 $0x200, s1;
	[dreg:$0x16] =	wrdreg s3;
	s0 =	sadd.s32 s0, s5  }
0x1c: {  	vm0 =	vmmov $0xffff;
	v1 =	vshrl.u32 v2, $0x3;
	s8 =	sadd.s32 $0x400, s1;
	s12 =	smax.u32 s12, $0x1;
	[dreg:$0x14] =	wrdreg s0  }
0x1d: {  	v0 =	vand.u32 $0x7, v2;
	v2 =	vor.u32 $0x8, v2;
	v1 =	vmul.u32 $0x8, v1;
	s3 =	simm.s32 $0x0;
	s5 =	sadd.s32 $0x100, s1;
	[dreg:$0x15] =	wrdreg s12  }
.LBB2_1:
0x1e: {  	[dreg:$0x17] =	wrdreg s3  }
0x1f: {  	s0 =	rddreg [dreg:$0x14]  }
0x20: {  	[tilespmem:s2], [sflag:$0x1] =	stream.linear.gather [hbm4b:s0+s2], $0x100, $0x38;
	[tilespmem:$0x10100] =	vst v63  }
0x21: {  	_ =	swait.ge [sflag:s14], $0x100  }
0x22: {  	[sflag:s14] =	ssyncset.done $0x0  }
0x23: {  	s4 =	simm.s32 $0x0;
	s13 =	rddreg [dreg:$0x16];
	[sflag:s14] =	ssyncadd.s32 $0xFFFFFF00  }
.LBB2_2:
0x24: {  	s12 =	sshra.s32 s4, $0x2  }
0x25: {  	v3 =	vld [tilespmem:s12+$0x0];
	_ =	sdelay $0x4  }
0x26: {  	v4 =	vshll.u32 v3, $0x4  }
0x27: {  	v3 =	vand.u32 $0x7, v3;
	v4 =	vand.u32 $0xFFFFFF80, v4  }
0x28: {  	v3 =	vor.u32 v3, v4  }
0x29: {  	v4 =	vperm.xlane v3, v0;
	_ =	sdelay $0x1  }
0x2a: {  	v4 =	vadd.s32 v1, v4;
	_ =	sdelay $0x4  }
0x2b: {  	[tilespmem:s15], [sflag:$0x1] =	stream.indirect_vreg.gather [hbm4b:s1+s2], $0x80, v4, vm0, $0xb8;
	[tilespmem:$0x10100] =	vst v63  }
0x2c: {  	s3 =	rddreg [dreg:$0x4]  }
0x2d: {  	[tilespmem:s3], [sflag:$0x1] =	stream.indirect_vreg.gather [hbm4b:s5+s2], $0x80, v4, vm0, $0xb8;
	[tilespmem:$0x10100] =	vst v63  }
0x2e: {  	s0 =	rddreg [dreg:$0x5]  }
0x2f: {  	[tilespmem:s0], [sflag:$0x1] =	stream.indirect_vreg.gather [hbm4b:s6+s2], $0x80, v4, vm0, $0xb8;
	[tilespmem:$0x10100] =	vst v63  }
0x30: {  	s3 =	rddreg [dreg:$0x6]  }
0x31: {  	[tilespmem:s3], [sflag:$0x1] =	stream.indirect_vreg.gather [hbm4b:s7+s2], $0x80, v4, vm0, $0xb8;
	[tilespmem:$0x10100] =	vst v63  }
0x32: {  	s0 =	rddreg [dreg:$0x7]  }
0x33: {  	[tilespmem:s0], [sflag:$0x1] =	stream.indirect_vreg.gather [hbm4b:s8+s2], $0x80, v4, vm0, $0xb8;
	[tilespmem:$0x10100] =	vst v63  }
0x34: {  	v3 =	vperm.xlane v3, v2;
	s3 =	rddreg [dreg:$0x8]  }
0x35: {  	[tilespmem:s3], [sflag:$0x1] =	stream.indirect_vreg.gather [hbm4b:s9+s2], $0x80, v4, vm0, $0xb8;
	[tilespmem:$0x10100] =	vst v63  }
0x36: {  	v3 =	vadd.s32 v1, v3;
	s0 =	rddreg [dreg:$0x9]  }
0x37: {  	[tilespmem:s0], [sflag:$0x1] =	stream.indirect_vreg.gather [hbm4b:s10+s2], $0x80, v4, vm0, $0xb8;
	[tilespmem:$0x10100] =	vst v63  }
0x38: {  	s3 =	rddreg [dreg:$0xa]  }
0x39: {  	[tilespmem:s3], [sflag:$0x1] =	stream.indirect_vreg.gather [hbm4b:s11+s2], $0x80, v4, vm0, $0xb8;
	[tilespmem:$0x10100] =	vst v63  }
0x3a: {  	s0 =	rddreg [dreg:$0xb]  }
0x3b: {  	[tilespmem:s0], [sflag:$0x1] =	stream.indirect_vreg.gather [hbm4b:s1+s2], $0x80, v3, vm0, $0xb8;
	[tilespmem:$0x10100] =	vst v63  }
0x3c: {  	s3 =	rddreg [dreg:$0xc]  }
0x3d: {  	[tilespmem:s3], [sflag:$0x1] =	stream.indirect_vreg.gather [hbm4b:s5+s2], $0x80, v3, vm0, $0xb8;
	[tilespmem:$0x10100] =	vst v63  }
0x3e: {  	s0 =	rddreg [dreg:$0xd]  }
0x3f: {  	[tilespmem:s0], [sflag:$0x1] =	stream.indirect_vreg.gather [hbm4b:s6+s2], $0x80, v3, vm0, $0xb8;
	[tilespmem:$0x10100] =	vst v63  }
0x40: {  	s3 =	rddreg [dreg:$0xe]  }
0x41: {  	[tilespmem:s3], [sflag:$0x1] =	stream.indirect_vreg.gather [hbm4b:s7+s2], $0x80, v3, vm0, $0xb8;
	[tilespmem:$0x10100] =	vst v63  }
0x42: {  	s0 =	rddreg [dreg:$0xf]  }
0x43: {  	[tilespmem:s0], [sflag:$0x1] =	stream.indirect_vreg.gather [hbm4b:s8+s2], $0x80, v3, vm0, $0xb8;
	[tilespmem:$0x10100] =	vst v63  }
0x44: {  	s3 =	rddreg [dreg:$0x10]  }
0x45: {  	[tilespmem:s3], [sflag:$0x1] =	stream.indirect_vreg.gather [hbm4b:s9+s2], $0x80, v3, vm0, $0xb8;
	[tilespmem:$0x10100] =	vst v63  }
0x46: {  	s0 =	rddreg [dreg:$0x11]  }
0x47: {  	[tilespmem:s0], [sflag:$0x1] =	stream.indirect_vreg.gather [hbm4b:s10+s2], $0x80, v3, vm0, $0xb8;
	[tilespmem:$0x10100] =	vst v63  }
0x48: {  	s3 =	rddreg [dreg:$0x12]  }
0x49: {  	[tilespmem:s3], [sflag:$0x1] =	stream.indirect_vreg.gather [hbm4b:s11+s2], $0x80, v3, vm0, $0xb8;
	[tilespmem:$0x10100] =	vst v63  }
0x4a: {  	v3 =	vld [tilespmem:s12+$0x10];
	_ =	sdelay $0x4  }
0x4b: {  	v63 =	vshll.u32 v3, $0x4  }
0x4c: {  	v3 =	vand.u32 $0x7, v3;
	v4 =	vand.u32 $0xFFFFFF80, v63  }
0x4d: {  	v3 =	vor.u32 v3, v4  }
0x4e: {  	v4 =	vperm.xlane v3, v0;
	_ =	sdelay $0x1  }
0x4f: {  	v4 =	vadd.s32 v1, v4;
	_ =	sdelay $0x3  }
0x50: {  	s12 =	rddreg [dreg:$0x13]  }
0x51: {  	[tilespmem:s12], [sflag:$0x1] =	stream.indirect_vreg.gather [hbm4b:s1+s2], $0x80, v4, vm0, $0xb8;
	[tilespmem:$0x10100] =	vst v63  }
0x52: {  	_ = 	snop  }
0x53: {  	[tilespmem:s16], [sflag:$0x1] =	stream.indirect_vreg.gather [hbm4b:s5+s2], $0x80, v4, vm0, $0xb8;
	[tilespmem:$0x10100] =	vst v63  }
0x54: {  	_ = 	snop  }
0x55: {  	[tilespmem:s17], [sflag:$0x1] =	stream.indirect_vreg.gather [hbm4b:s6+s2], $0x80, v4, vm0, $0xb8;
	[tilespmem:$0x10100] =	vst v63  }
0x56: {  	_ = 	snop  }
0x57: {  	[tilespmem:s18], [sflag:$0x1] =	stream.indirect_vreg.gather [hbm4b:s7+s2], $0x80, v4, vm0, $0xb8;
	[tilespmem:$0x10100] =	vst v63  }
0x58: {  	_ = 	snop  }
0x59: {  	[tilespmem:s19], [sflag:$0x1] =	stream.indirect_vreg.gather [hbm4b:s8+s2], $0x80, v4, vm0, $0xb8;
	[tilespmem:$0x10100] =	vst v63  }
0x5a: {  	v3 =	vperm.xlane v3, v2  }
0x5b: {  	[tilespmem:s20], [sflag:$0x1] =	stream.indirect_vreg.gather [hbm4b:s9+s2], $0x80, v4, vm0, $0xb8;
	[tilespmem:$0x10100] =	vst v63  }
0x5c: {  	v3 =	vadd.s32 v1, v3  }
0x5d: {  	[tilespmem:s21], [sflag:$0x1] =	stream.indirect_vreg.gather [hbm4b:s10+s2], $0x80, v4, vm0, $0xb8;
	[tilespmem:$0x10100] =	vst v63  }
0x5e: {  	_ = 	snop  }
0x5f: {  	[tilespmem:s22], [sflag:$0x1] =	stream.indirect_vreg.gather [hbm4b:s11+s2], $0x80, v4, vm0, $0xb8;
	[tilespmem:$0x10100] =	vst v63  }
0x60: {  	_ = 	snop  }
0x61: {  	[tilespmem:s23], [sflag:$0x1] =	stream.indirect_vreg.gather [hbm4b:s1+s2], $0x80, v3, vm0, $0xb8;
	[tilespmem:$0x10100] =	vst v63  }
0x62: {  	_ = 	snop  }
0x63: {  	[tilespmem:s24], [sflag:$0x1] =	stream.indirect_vreg.gather [hbm4b:s5+s2], $0x80, v3, vm0, $0xb8;
	[tilespmem:$0x10100] =	vst v63  }
0x64: {  	_ = 	snop  }
0x65: {  	[tilespmem:s25], [sflag:$0x1] =	stream.indirect_vreg.gather [hbm4b:s6+s2], $0x80, v3, vm0, $0xb8;
	[tilespmem:$0x10100] =	vst v63  }
0x66: {  	_ = 	snop  }
0x67: {  	[tilespmem:s26], [sflag:$0x1] =	stream.indirect_vreg.gather [hbm4b:s7+s2], $0x80, v3, vm0, $0xb8;
	[tilespmem:$0x10100] =	vst v63  }
0x68: {  	_ = 	snop  }
0x69: {  	[tilespmem:s28], [sflag:$0x1] =	stream.indirect_vreg.gather [hbm4b:s8+s2], $0x80, v3, vm0, $0xb8;
	[tilespmem:$0x10100] =	vst v63  }
0x6a: {  	_ = 	snop  }
0x6b: {  	[tilespmem:s29], [sflag:$0x1] =	stream.indirect_vreg.gather [hbm4b:s9+s2], $0x80, v3, vm0, $0xb8;
	[tilespmem:$0x10100] =	vst v63  }
0x6c: {  	_ = 	snop  }
0x6d: {  	[tilespmem:s30], [sflag:$0x1] =	stream.indirect_vreg.gather [hbm4b:s10+s2], $0x80, v3, vm0, $0xb8;
	[tilespmem:$0x10100] =	vst v63  }
0x6e: {  	_ = 	snop  }
0x6f: {  	[tilespmem:s31], [sflag:$0x1] =	stream.indirect_vreg.gather [hbm4b:s11+s2], $0x80, v3, vm0, $0xb8;
	[tilespmem:$0x10100] =	vst v63  }
0x70: {  	_ =	swait.ge [sflag:s14], $0x10000  }
0x71: {  	p0 =	sne.s32 s4, $0x380;
	[sflag:s14] =	ssyncset.done $0x0  }
.Ltmp0:
0x72: {  	[sflag:s14] =	ssyncadd.s32 $0xFFFF0000;
	(pc) =	sbr.rel @p0 .LBB2_2-.Ltmp0, $4  }
0x73: {  	[hbm4b:s13+s2] =	stream.linear.scatter [tilespmem:s15], [sflag:$0x1], $0x10000, $0x38;
	[tilespmem:$0x10100] =	vst v63  }
0x74: {  	_ =	swait.ge [sflag:s14], $0x10000  }
0x75: {  	[sflag:s14] =	ssyncset.done $0x0  }
0x76: {  	s4 =	sadd.s32 $0x80, s4;
	s13 =	sadd.s32 $0x2000, s13;
	[sflag:s14] =	ssyncadd.s32 $0xFFFF0000  }
0x77: {  	s3 =	rddreg [dreg:$0x17]  }
0x78: {  	s0 =	rddreg [dreg:$0x15];
	s3 =	sadd.s32 $0x1, s3  }
0x79: {  	p0 =	sne.s32 s3, s0  }
.Ltmp1:
0x7a: {  	_ = 	snop;
	(pc) =	sbr.rel @p0 .LBB2_1-.Ltmp1, $1  }
0x7b: {  	_ =	sdelay $0x3  }
0x7c: {  	_ =	sfence.sel $0x180000  }
0x7d: {  	[bflag:$0x0] =	sbarrier.arrive $0xFFFF  }
0x7e: {  	_ =	strace $0x90000047  }
0x7f: {  	s0 =	stileid.u32;
	[bflag:$0x2] =	sbarrier.arrive $0xFFFF  }
0x80: {  	p0 =	sne.s32 s0, $0x0;
	s0 =	rddreg [dreg:$0x3]  }
0x81: {  	s0 =	sadd.s32 @!p0 $0x100000, s0  }
0x82: {  	[sflag:s0] =	ssyncadd.tile.s32 @!p0 $0x1;
	_ =	shalt  }
.Lfunc_end2:
_tile_overlayer_lowered:
.L_overlay_start_2:
0x83: {  	(tag) =	ssettag $0x2  }
0x84: {  	s0 =	rddreg [dreg:$0x0];
	s2 =	stileid.u32  }
0x85: {  	s1 =	rddreg [dreg:$0x1];
	p0 =	sne.s32 s2, $0x0  }
0x86: {  	s3 =	rddreg [dreg:$0x2];
	[bflag:$0x3] =	sbarrier.arrive $0xFFFF;
	s2 =	simm.s32 @!p0 $0x1C01  }
0x87: {  	[timem:s3], [sflag:s2] =	dma.local @!p0 [hbm:s0], s1  }
0x88: {  	s0 =	simm.s32 @!p0 $0x1  }
0x89: {  	_ =	swait.ge @!p0 [sflag:s0], s1  }
0x8a: {  	s1 =	ssub.s32 @!p0 $0x0, s1;
	[sflag:s0] =	ssyncset.done @!p0 $0x0  }
0x8b: {  	[sflag:s0] =	ssyncadd.s32 @!p0 s1  }
0x8c: {  	[bflag:$0x3] =	sbarrier.arrive $0xFFFF  }
0x8d: {  	_ =	shalt  }

</sc_bundles>
